<compile_context>
chip_gen: v7x
topology: tpu7x:2x2x1
jax: 0.10.2.dev20260603
libtpu: 0.0.44.dev20260713+nightly
codegen_flags: <defaults>
</compile_context>

<pallas_src>
import jax
import jax.numpy as jnp
from jax.experimental import pallas as pl


def _index_points(points, idx):
    B = points.shape[0]
    batch = jnp.arange(B).reshape((B,) + (1,) * (idx.ndim - 1))
    return points[batch, idx]


def _square_distance(a, b):
    return jnp.sum((a[:, :, None, :] - b[:, None, :, :]) ** 2, axis=-1)


def _farthest_point_sample(xyz, M):
    B, N, _ = xyz.shape
    def body(i, state):
        idx, dists, far = state
        idx = idx.at[:, i].set(far)
        centroid = _index_points(xyz, far[:, None])
        d = jnp.sum((xyz - centroid) ** 2, axis=-1)
        dists = jnp.minimum(dists, d)
        far = jnp.argmax(dists, axis=-1).astype(jnp.int32)
        return idx, dists, far
    idx0 = jnp.zeros((B, M), dtype=jnp.int32)
    dists0 = jnp.full((B, N), 1e10, dtype=xyz.dtype)
    far0 = jnp.zeros((B,), dtype=jnp.int32)
    idx, _, _ = jax.lax.fori_loop(0, M, body, (idx0, dists0, far0))
    return idx


def _ball_query(radius, K, xyz, new_xyz):
    B, N, _ = xyz.shape
    sqr = _square_distance(new_xyz, xyz)
    gidx = jnp.broadcast_to(jnp.arange(N, dtype=jnp.int32), sqr.shape)
    gidx = jnp.where(sqr > radius * radius, N, gidx)
    gidx = jnp.sort(gidx, axis=-1)[:, :, :K]
    first = jnp.broadcast_to(gidx[:, :, :1], gidx.shape)
    return jnp.where(gidx == N, first, gidx)


def _batchnorm(x, g, b):
    axes = tuple(range(x.ndim - 1))
    mu = jnp.mean(x, axis=axes, keepdims=True)
    var = jnp.var(x, axis=axes, keepdims=True)
    return g * (x - mu) / jnp.sqrt(var + 1e-5) + b


def _mlp(x, layers):
    for (W, b, g, bt) in layers:
        x = jax.nn.relu(_batchnorm(x @ W + b, g, bt))
    return x


def _msg_sa(xyz, feats, num_centroid, radii, num_samples, scale_params):
    fps_idx = _farthest_point_sample(xyz, num_centroid)
    new_xyz = _index_points(xyz, fps_idx)
    outs = []
    for r, K, layers in zip(radii, num_samples, scale_params):
        idx = _ball_query(r, K, xyz, new_xyz)
        grouped = _index_points(xyz, idx) - new_xyz[:, :, None, :]
        if feats is not None:
            grouped = jnp.concatenate([grouped, _index_points(feats, idx)], axis=-1)
        outs.append(jnp.max(_mlp(grouped, layers), axis=2))
    return new_xyz, jnp.concatenate(outs, axis=-1)


def _global_sa(xyz, feats, layers):
    grouped = jnp.concatenate([xyz, feats], axis=-1)[:, None, :, :]
    return jnp.max(_mlp(grouped, layers), axis=2)


def _copy_kernel(x_ref, o_ref):
    o_ref[...] = x_ref[...]


def kernel(points, params):
    points = pl.pallas_call(
        _copy_kernel,
        out_shape=jax.ShapeDtypeStruct(points.shape, points.dtype),
    )(points)
    xyz, f = _msg_sa(points, None, 512, [0.1, 0.2, 0.4], [16, 32, 128], params['sa1'])
    xyz, f = _msg_sa(xyz, f, 128, [0.2, 0.4, 0.8], [32, 64, 128], params['sa2'])
    f = _global_sa(xyz, f, params['gsa'])[:, 0, :]
    (W1, b1, g1, bt1), (W2, b2, g2, bt2), (W3, b3) = params['cls']
    h = jax.nn.relu(_batchnorm(f @ W1 + b1, g1, bt1))
    h = jax.nn.relu(_batchnorm(h @ W2 + b2, g2, bt2))
    return h @ W3 + b3

# --- scband reference (transcript-rebuilt; emitter-appended) ---
"""Pipeline reference for scband-point-net2-18889266167882 (READ-ONLY COPY).

The authoritative reference and input builder live on the scoring server;
editing this copy changes nothing except your own understanding.
"""

import jax, jax.numpy as jnp
import numpy as np


def index_points(points, idx):
    B = points.shape[0]
    batch = jnp.arange(B).reshape((B,) + (1,) * (idx.ndim - 1))
    return points[batch, idx]


def square_distance(a, b):
    return jnp.sum((a[:, :, None, :] - b[:, None, :, :]) ** 2, axis=-1)


def farthest_point_sample(xyz, M):
    B, N, _ = xyz.shape
    def body(i, state):
        idx, dists, far = state
        idx = idx.at[:, i].set(far)
        centroid = index_points(xyz, far[:, None])
        d = jnp.sum((xyz - centroid) ** 2, axis=-1)
        dists = jnp.minimum(dists, d)
        far = jnp.argmax(dists, axis=-1).astype(jnp.int32)
        return idx, dists, far
    idx0 = jnp.zeros((B, M), dtype=jnp.int32)
    dists0 = jnp.full((B, N), 1e10, dtype=xyz.dtype)
    far0 = jnp.zeros((B,), dtype=jnp.int32)
    idx, _, _ = jax.lax.fori_loop(0, M, body, (idx0, dists0, far0))
    return idx


def ball_query(radius, K, xyz, new_xyz):
    B, N, _ = xyz.shape
    M = new_xyz.shape[1]
    sqr = square_distance(new_xyz, xyz)
    gidx = jnp.broadcast_to(jnp.arange(N, dtype=jnp.int32), (B, M, N))
    gidx = jnp.where(sqr > radius * radius, N, gidx)
    gidx = jnp.sort(gidx, axis=-1)[:, :, :K]
    first = jnp.broadcast_to(gidx[:, :, :1], gidx.shape)
    return jnp.where(gidx == N, first, gidx)


def batchnorm(x, g, b):
    axes = tuple(range(x.ndim - 1))
    mu = jnp.mean(x, axis=axes, keepdims=True)
    var = jnp.var(x, axis=axes, keepdims=True)
    return g * (x - mu) / jnp.sqrt(var + 1e-5) + b


def mlp(x, layers):
    for (W, b, g, bt) in layers:
        x = jax.nn.relu(batchnorm(x @ W + b, g, bt))
    return x


def msg_sa(xyz, feats, num_centroid, radii, num_samples, scale_params):
    fps_idx = farthest_point_sample(jax.lax.stop_gradient(xyz), num_centroid)
    new_xyz = index_points(xyz, fps_idx)
    outs = []
    for r, K, layers in zip(radii, num_samples, scale_params):
        idx = ball_query(r, K, jax.lax.stop_gradient(xyz), jax.lax.stop_gradient(new_xyz))
        grouped = index_points(xyz, idx) - new_xyz[:, :, None, :]
        if feats is not None:
            grouped = jnp.concatenate([grouped, index_points(feats, idx)], axis=-1)
        outs.append(jnp.max(mlp(grouped, layers), axis=2))
    return new_xyz, jnp.concatenate(outs, axis=-1)


def global_sa(xyz, feats, layers):
    grouped = jnp.concatenate([xyz, feats], axis=-1)[:, None, :, :]
    return jnp.max(mlp(grouped, layers), axis=2)


def forward(points, params):
    xyz, f = msg_sa(points, None, 512, [0.1, 0.2, 0.4], [16, 32, 128], params['sa1'])
    xyz, f = msg_sa(xyz, f, 128, [0.2, 0.4, 0.8], [32, 64, 128], params['sa2'])
    f = global_sa(xyz, f, params['gsa'])[:, 0, :]
    (W1, b1, g1, bt1), (W2, b2, g2, bt2), (W3, b3) = params['cls']
    h = jax.nn.relu(batchnorm(f @ W1 + b1, g1, bt1))
    h = jax.nn.relu(batchnorm(h @ W2 + b2, g2, bt2))
    return h @ W3 + b3


def make_mlp_params(key, cin, dims):
    layers = []
    c = cin
    for j, cout in enumerate(dims):
        k = jax.random.fold_in(key, j)
        W = jax.random.normal(k, (c, cout), dtype=jnp.float32) / np.sqrt(c)
        layers.append((W, jnp.zeros((cout,), jnp.float32), jnp.ones((cout,), jnp.float32), jnp.zeros((cout,), jnp.float32)))
        c = cout
    return layers


def setup_inputs(seed: int = 0):
    key = jax.random.key(seed)
    points = jax.random.normal(jax.random.fold_in(key, 0), (4, 2048, 3), dtype=jnp.float32)
    sa1 = [make_mlp_params(jax.random.fold_in(key, 10 + i), 3, dims) for i, dims in enumerate([[32, 32, 64], [64, 64, 128], [64, 96, 128]])]
    sa2 = [make_mlp_params(jax.random.fold_in(key, 20 + i), 323, dims) for i, dims in enumerate([[64, 64, 128], [128, 128, 256], [128, 128, 256]])]
    gsa = make_mlp_params(jax.random.fold_in(key, 30), 643, [256, 512, 1024])
    k1 = jax.random.fold_in(key, 40)
    k2 = jax.random.fold_in(key, 41)
    k3 = jax.random.fold_in(key, 42)
    cls = [
        (jax.random.normal(k1, (1024, 512), jnp.float32) / 32.0, jnp.zeros((512,), jnp.float32), jnp.ones((512,), jnp.float32), jnp.zeros((512,), jnp.float32)),
        (jax.random.normal(k2, (512, 256), jnp.float32) / np.sqrt(512.0), jnp.zeros((256,), jnp.float32), jnp.ones((256,), jnp.float32), jnp.zeros((256,), jnp.float32)),
        (jax.random.normal(k3, (256, 40), jnp.float32) / 16.0, jnp.zeros((40,), jnp.float32)),
    ]
    params = {'sa1': sa1, 'sa2': sa2, 'gsa': gsa, 'cls': cls}
    return {'points': points, 'params': params}


def reference(points, params):
    return forward(points, params)

if __name__ == "__main__":
    import jax
    _d = setup_inputs()
    print(jax.jit(kernel)(*tuple(_d.values())))

</pallas_src>

<mosaic_0001>
module attributes {stable_mosaic.version = 14 : i64} {
  func.func @_copy_kernel(%arg0: memref<4x2048x3xf32, #tpu.memory_space<vmem>>, %arg1: memref<4x2048x3xf32, #tpu.memory_space<vmem>>) attributes {dimension_semantics = [], scalar_prefetch = 0 : i64, scratch_operands = 0 : i64, tpu.core_type = #tpu.core_type<tc>} {
    %get3A = arith.constant 0 : index
    %get3A_0 = arith.constant 0 : index
    %get3A_1 = arith.constant 0 : index
    %get3A_2 = vector.load %arg0[%get3A, %get3A_0, %get3A_1] : memref<4x2048x3xf32, #tpu.memory_space<vmem>>, vector<4x2048x3xf32>
    %swap3A = arith.constant 0 : index
    %swap3A_3 = arith.constant 0 : index
    %swap3A_4 = arith.constant 0 : index
    %swap3A_5 = vector.load %arg1[%swap3A, %swap3A_3, %swap3A_4] : memref<4x2048x3xf32, #tpu.memory_space<vmem>>, vector<4x2048x3xf32>
    tpu.vector_store %arg1[%swap3A, %swap3A_3, %swap3A_4], %get3A_2 {strides = array<i32>} : memref<4x2048x3xf32, #tpu.memory_space<vmem>>, vector<4x2048x3xf32>,
    return
  }
}

</mosaic_0001>

<sc_bundles>
// kernel: gather_offload_async_start
scs
__scs_entry_jumppad:
0x0: {  	(pc) =	sbr.rel $0x88, $3  }
0x1: {  	(tag) =	ssettag $0x0;
	lr =	simm.s32 $0x1  }
0x2: {  	[smem:$0x3F42] =	sst lr;
	_ =	strace $0xD0000000  }
0x3: {  	_ = 	snop  }
0x4: {  	_ = 	snop  }
0x5: {  	_ = 	snop  }
0x6: {  	_ = 	snop  }
0x7: {  	_ = 	snop  }
__scs_overlays_trampoline_lowered:
0x8: {  	[smem:$0x3F51] =	sst s0  }
0x9: {  	[smem:$0x3F52] =	sst s1  }
0xa: {  	[smem:$0x3F53] =	sst s2  }
0xb: {  	[smem:$0x3F54] =	sst s3  }
0xc: {  	[smem:$0x3F55] =	sst s4  }
0xd: {  	[smem:$0x3F56] =	sst s5  }
0xe: {  	[smem:$0x3F57] =	sst s6  }
0xf: {  	[smem:$0x3F58] =	sst s7  }
0x10: {  	[smem:$0x3F59] =	sst s8  }
0x11: {  	[smem:$0x3F5A] =	sst s9;
	s0 =	simm.s32 @!p0 $0x0  }
0x12: {  	s1 =	sld [smem:$0x3F40];
	s0 =	simm.s32 @p0 $0x1  }
0x13: {  	[smem:$0x3F5B] =	sst s0;
	s0 =	simm.s32 @!p1 $0x0  }
0x14: {  	s2 =	sld [smem:$0x3F3F];
	s0 =	simm.s32 @p1 $0x1  }
0x15: {  	[smem:$0x3F5C] =	sst s0;
	s0 =	simm.s32 @!p2 $0x0  }
0x16: {  	s3 =	sld [smem:$0x3FDB];
	s0 =	simm.s32 @p2 $0x1  }
0x17: {  	s4 =	simm.s32 $0x1BF5;
	[smem:$0x3F5E] =	sst s0  }
0x18: {  	s0 =	sld [smem:$0x3F41];
	_ =	swait.ge [sflag:s4], $0x0  }
0x19: {  	s7 =	sld [smem:$0x3F42]  }
0x1a: {  	s8 =	sadd.s32 $0xFFFFE003, lr  }
0x1b: {  	s9 =	sadd.s32 $0xFFFFFEF7, lr;
	s5 =	simm.s32 $0xFFFFFFFF;
	p2 =	slt.u32 s8, $0xFFFFF086  }
0x1c: {  	p1 =	slt.u32 s9, $0xF7A;
	s5 =	simm.s32 @!p2 $0x0  }
0x1d: {  	s5 =	simm.s32 @p1 $0x1;
	p0 =	seq.s32 s7, s2  }
0x1e: {  	s7 =	smul.u32 @!p0 $0xF7A, s2;
	p2 =	seq.s32 @!p0 s5, $0x0  }
0x1f: {  	s9 =	smul.u32 $0xF7A, s1;
	s8 =	simm.s32 @!p0 $0x1BF5;
	p2 =	por !p2, p0  }
0x20: {  	[sflag:s8] =	ssyncset.s32 @!p0 $0xFFFFF086;
	s6 =	sadd.s32 @!p0 s3, s7;
	s7 =	simm.s32 @!p0 $0x108  }
0x21: {  	s3 =	sadd.s32 s3, s9;
	s6 =	sadd.s32 @!p0 $0x88, s6;
	s7 =	simm.s32 @p2 $0x1082  }
0x22: {  	[simem:s7], [sflag:s8] =	dma.local @!p0 [hbm:s6], $0xF7A  }
0x23: {  	s9 =	sor.u32 $0xD0000000, s2;
	s6 =	simm.s32 $0x108;
	_ =	swait.ge @!p0 [sflag:s8], $0x0  }
0x24: {  	s3 =	sadd.s32 $0x88, s3;
	s6 =	simm.s32 @!p1 $0x1082;
	[sflag:s4] =	ssyncset.s32 $0xFFFFF086  }
0x25: {  	[simem:s6], [sflag:s4] =	dma.local [hbm:s3], $0xF7A  }
0x26: {  	[smem:$0x3F42] =	sst s1;
	(tag) =	ssettag s2;
	_ =	strace s9  }
0x27: {  	s1 =	sld [smem:$0x3F52]  }
0x28: {  	s2 =	sld [smem:$0x3F53]  }
0x29: {  	s4 =	sld [smem:$0x3F55]  }
0x2a: {  	p0 =	seq.s32 s5, $0x0;
	s5 =	sld [smem:$0x3F56]  }
0x2b: {  	s6 =	sld [smem:$0x3F57]  }
0x2c: {  	s7 =	sld [smem:$0x3F58]  }
0x2d: {  	s3 =	simm.s32 $0x108;
	s8 =	sld [smem:$0x3F59]  }
0x2e: {  	s3 =	simm.s32 @!p0 $0x1082;
	s9 =	sld [smem:$0x3F5A]  }
0x2f: {  	lr =	sadd.s32 s0, s3;
	s0 =	sld [smem:$0x3F51]  }
0x30: {  	s3 =	sld [smem:$0x3F54]  }
0x31: {  	[smem:$0x3F5D] =	sst s10  }
0x32: {  	s10 =	sld [smem:$0x3F5B];
	_ =	sdelay $0x3  }
0x33: {  	p0 =	seq.s32 s10, $0x1;
	s10 =	sld [smem:$0x3F5D];
	_ =	sdelay $0x3  }
0x34: {  	[smem:$0x3F5D] =	sst s10  }
0x35: {  	s10 =	sld [smem:$0x3F5C];
	_ =	sdelay $0x3  }
0x36: {  	p1 =	seq.s32 s10, $0x1;
	s10 =	sld [smem:$0x3F5D];
	_ =	sdelay $0x3  }
0x37: {  	[smem:$0x3F5D] =	sst s10  }
0x38: {  	s10 =	sld [smem:$0x3F5E]  }
0x39: {  	_ = 	snop;
	(pc) =	sbr.ind lr, $3  }
0x3a: {  	_ = 	snop  }
0x3b: {  	_ = 	snop  }
0x3c: {  	p2 =	seq.s32 s10, $0x1;
	s10 =	sld [smem:$0x3F5D]  }
0x3d: {  	_ =	shalt  }
0x3e: {  	_ =	shalt  }
0x3f: {  	_ =	shalt  }
0x40: {  	_ =	shalt  }
0x41: {  	_ =	shalt  }
0x42: {  	_ =	shalt  }
0x43: {  	_ =	shalt  }
0x44: {  	_ =	shalt  }
0x45: {  	_ =	shalt  }
0x46: {  	_ =	shalt  }
0x47: {  	_ =	shalt  }
0x48: {  	_ =	shalt  }
0x49: {  	_ =	shalt  }
0x4a: {  	_ =	shalt  }
0x4b: {  	_ =	shalt  }
0x4c: {  	_ =	shalt  }
0x4d: {  	_ =	shalt  }
0x4e: {  	_ =	shalt  }
0x4f: {  	_ =	shalt  }
0x50: {  	_ =	shalt  }
0x51: {  	_ =	shalt  }
0x52: {  	_ =	shalt  }
0x53: {  	_ =	shalt  }
0x54: {  	_ =	shalt  }
0x55: {  	_ =	shalt  }
0x56: {  	_ =	shalt  }
0x57: {  	_ =	shalt  }
0x58: {  	_ =	shalt  }
0x59: {  	_ =	shalt  }
0x5a: {  	_ =	shalt  }
0x5b: {  	_ =	shalt  }
0x5c: {  	_ =	shalt  }
0x5d: {  	_ =	shalt  }
0x5e: {  	_ =	shalt  }
0x5f: {  	_ =	shalt  }
0x60: {  	_ =	shalt  }
0x61: {  	_ =	shalt  }
0x62: {  	_ =	shalt  }
0x63: {  	_ =	shalt  }
0x64: {  	_ =	shalt  }
0x65: {  	_ =	shalt  }
0x66: {  	_ =	shalt  }
0x67: {  	_ =	shalt  }
0x68: {  	_ =	shalt  }
0x69: {  	_ =	shalt  }
0x6a: {  	_ =	shalt  }
0x6b: {  	_ =	shalt  }
0x6c: {  	_ =	shalt  }
0x6d: {  	_ =	shalt  }
0x6e: {  	_ =	shalt  }
0x6f: {  	_ =	shalt  }
0x70: {  	_ =	shalt  }
0x71: {  	_ =	shalt  }
0x72: {  	_ =	shalt  }
0x73: {  	_ =	shalt  }
0x74: {  	_ =	shalt  }
0x75: {  	_ =	shalt  }
0x76: {  	_ =	shalt  }
0x77: {  	_ =	shalt  }
0x78: {  	_ =	shalt  }
0x79: {  	_ =	shalt  }
0x7a: {  	_ =	shalt  }
0x7b: {  	_ =	shalt  }
0x7c: {  	_ =	shalt  }
0x7d: {  	_ =	shalt  }
0x7e: {  	_ =	shalt  }
0x7f: {  	_ =	shalt  }
0x80: {  	_ =	shalt  }
0x81: {  	_ =	shalt  }
0x82: {  	_ =	shalt  }
0x83: {  	_ =	shalt  }
0x84: {  	_ =	shalt  }
0x85: {  	_ =	shalt  }
0x86: {  	_ =	shalt  }
0x87: {  	_ =	shalt  }
.Lfunc_end0:
.L_simem_size_0:
called_computation.1_lowered:
.L_overlay_start_0:
0x88: {  	s2 =	sld [smem:$0x3FD9]  }
0x89: {  	s3 =	sld [smem:$0x3FFE];
	_ =	sdelay $0x1  }
0x8a: {  	s1 =	srdreg.scid  }
0x8b: {  	s0 =	sand.u32 $0x1, s1  }
0x8c: {  	s16 =	sshll.u32 s0, $0xA;
	s2 =	sadd.s32 s3, s2  }
0x8d: {  	s2 =	sadd.s32 s2, s16  }
0x8e: {  	[smem:$0x3F69] =	sst s2  }
0x8f: {  	_ = 	snop  }
0x90: {  	(tm) =	ssettm $0x1  }
0x91: {  	s17 =	sld [smem:$0x3FFB];
	_ =	sdelay $0x3  }
0x92: {  	_ =	strace s17  }
0x93: {  	s2 =	sld [smem:$0x3FFC];
	_ =	sdelay $0x3  }
0x94: {  	_ =	strace s2  }
0x95: {  	s2 =	sld [smem:$0x3FFD];
	_ =	sdelay $0x3  }
0x96: {  	_ =	strace s2  }
0x97: {  	_ =	strace $0x8FFFFFFF  }
0x98: {  	s18 =	sld [smem:$0x3FDB];
	_ =	sdelay $0x1  }
0x99: {  	s19 =	simm.s32 $_scs_section_size  }
0x9a: {  	s4 =	simm.s32 $_size__tile_overlayer_lowered;
	s5 =	simm.s32 $_tile_overlayer_lowered  }
0x9b: {  	s22 =	simm.s32 $0x1BFF;
	s21 =	sshll.u32 s5, $0x1;
	s2 =	sadd.s32 s19, s18  }
0x9c: {  	s6 =	simm.s32 $0x0;
	s20 =	sshll.u32 s4, $0x1;
	s4 =	sadd.s32 s21, s2  }
0x9d: {  	[timem:s6], [sflag:s22] =	dma.local [hbm:s4], s20  }
0x9e: {  	_ =	swait.ge [sflag:s22], s20  }
0x9f: {  	s3 =	ssub.s32 $0x0, s20;
	[sflag:s22] =	ssyncset.done $0x0  }
0xa0: {  	[sflag:s22] =	ssyncadd.s32 s3;
	_ =	sdelay $0x1  }
0xa1: {  	s23 =	simm.s32 $0x1B8B  }
0xa2: {  	_ =	swait.ge [sflag:s23], $0x1  }
0xa3: {  	[sflag:s23] =	ssyncset.done $0x0  }
0xa4: {  	s25 =	simm.s32 $0x1B8E;
	s24 =	sld [smem:$0x3FFE];
	[sflag:s23] =	ssyncadd.s32 $0xFFFFFFFF  }
0xa5: {  	s26 =	simm.s32 $execute0_lowered;
	[smem:$0x3FD2] =	sst s25  }
0xa6: {  	s4 =	sshll.u32 s26, $0x1;
	_ =	strace $0x80000046;
	[dreg:$0x1] =	wrdreg $0xFFFFFFFF  }
0xa7: {  	s28 =	simm.s32 $_size_execute0_lowered;
	s2 =	sadd.s32 s2, s4;
	[dreg:$0x0] =	wrdreg $0x0  }
0xa8: {  	s4 =	sshll.u32 s28, $0x1;
	[dreg:$0x2] =	wrdreg s2  }
0xa9: {  	[dreg:$0x3] =	wrdreg s4  }
0xaa: {  	[dreg:$0x4] =	wrdreg $0xC0  }
0xab: {  	_ =	task [dreg:s6], $0x5FFFF  }
0xac: {  	[dreg:$0x1] =	wrdreg $0xFFFFFFFF  }
0xad: {  	[dreg:$0x0] =	wrdreg $0x60  }
0xae: {  	[dreg:$0x2] =	wrdreg s24  }
0xaf: {  	[dreg:$0x3] =	wrdreg $0x9  }
0xb0: {  	_ =	task.clear_ibuf [dreg:s6], $0x4FFFF;
	_ =	strace $0x90000046  }
0xb1: {  	s29 =	simm.s32 $0x9;
	_ =	strace $0x80000048  }
0xb2: {  	_ =	swait.ge [sflag:s29], $0x1  }
0xb3: {  	[sflag:s29] =	ssyncadd.s32 $0xFFFFFFFF  }
0xb4: {  	_ =	strace $0x90000048  }
0xb5: {  	_ =	sfence  }
0xb6: {  	s30 =	sld [smem:$0x0];
	_ =	sdelay $0x2  }
0xb7: {  	s31 =	sshll.u32 s1, $0xD;
	s1 =	sshrl.u32 s1, $0x2  }
0xb8: {  	s3 =	sand.u32 $0x4000, s31;
	s1 =	sadd.s32 s1, s30  }
0xb9: {  	s0 =	sor.u32 s3, s0;
	s1 =	sshll.u32 s1, $0x11  }
0xba: {  	s0 =	sor.u32 s1, s0  }
0xbb: {  	s0 =	sadd.s32 $0x8F2B, s0  }
0xbc: {  	[sflag:s0] =	ssyncadd.remote.s32 $0x1  }
0xbd: {  	_ =	sfence.sel $0xFFFF  }
0xbe: {  	[dreg:$0x0] =	wrdreg $0xFFFFFFFF;
	(pc) =	sbr.abs _section_cstart, $3  }
0xbf: {  	[dreg:$0x1] =	wrdreg $0xFFFFFFFF  }
0xc0: {  	_ =	task.clear_ibuf [dreg:s6], $0x2FFFF;
	_ =	strace $0x9FFFFFFF  }
0xc1: {  	(tm) =	ssettm $0x7FFFFFFF  }
tec
execute0_lowered:
.L_overlay_start_1:
0x0: {  	(tag) =	ssettag $0x1  }
0x1: {  	s2 =	rddreg [dreg:$0x0]  }
0x2: {  	s0 =	rddreg [dreg:$0x1]  }
0x3: {  	s1 =	srdreg.scid;
	_ =	strace $0x80000047;
	s4 =	simm.s32 $0x1  }
0x4: {  	s9 =	simm.s32 $0x3;
	s12 =	simm.s32 $0x0;
	s5 =	sshll.u32 s1, $0x4  }
.Ltmp0:
0x5: {  	s1 =	stileid.u32;
	s5 =	sand.u32 $0x10, s5;
	(pc) =	sbr.rel .LBB2_1-.Ltmp0, $4  }
0x6: {  	s10 =	simm.s32 $0x0;
	s3 =	sadd.s32 $0x20000, s2;
	s6 =	sor.u32 s1, s5  }
0x7: {  	[sflag:s4] =	ssyncpa.u1 $0x0;
	s5 =	simm.s32 $0x2;
	s6 =	sshll.u32 s6, $0x6  }
0x8: {  	s7 =	sadd.s32 $0x20200, s2;
	[sflag:s5] =	ssyncpa.u1 $0x0;
	s8 =	sadd.s32 $0x40, s6  }
0x9: {  	vm0 =	vmmov $0xff;
	vm1 =	vcmask $0x3F20;
	[sflag:s9] =	ssyncpa.u1 $0x0;
	s9 =	simm.s32 $0x40;
	s11 =	smov.u32 s6  }
.LBB2_9:
0xa: {  	p0 =	seq.s32 s10, $0x2  }
.Ltmp1:
0xb: {  	_ = 	snop;
	(pc) =	sbr.rel @p0 .LBB2_11-.Ltmp1, $1  }
0xc: {  	_ =	sdelay $0x3  }
.LBB2_10:
0xd: {  	s12 =	sadd.s32 $0x40, s11  }
0xe: {  	s13 =	smov.u32 s6;
	p0 =	slt.s32 s12, s8  }
0xf: {  	s13 =	smov.u32 @p0 s12  }
0x10: {  	s10 =	sadd.s32 $0x1, s10;
	s12 =	smov.u32 s11;
	s11 =	smov.u32 s13  }
.LBB2_1:
0x11: {  	p0 =	sne.s32 s10, $0x0  }
.Ltmp2:
0x12: {  	_ = 	snop;
	(pc) =	sbr.rel @!p0 .LBB2_2-.Ltmp2, $1  }
0x13: {  	_ =	sdelay $0x3  }
0x14: {  	s13 =	sand.u32 $0x1, s10  }
0x15: {  	p0 =	seq.s32 s13, $0x0  }
.Ltmp3:
0x16: {  	_ = 	snop;
	(pc) =	sbr.rel @p0 .LBB2_9-.Ltmp3, $1  }
0x17: {  	_ =	sdelay $0x3  }
0x18: {  	_ =	swait.ge [sflag:s5], $0x40  }
0x19: {  	[sflag:s5] =	ssyncset.done $0x0  }
0x1a: {  	s13 =	simm.s32 $0x0;
	[sflag:s5] =	ssyncadd.s32 $0xFFFFFFC0  }
0x1b: {  	v0 =	vld.msk [tilespmem:s13+$0x40 ss:$0x1], $0xffff;
	_ =	sdelay $0x4  }
0x1c: {  	v1 =	vshll.u32 v0, $0x5  }
0x1d: {  	vm2 =	veq.s32 v0, $0x80000000;
	v0 =	vshll.u32 v0, $0x12;
	v1 =	vand.u32 $0x3FF80, v1  }
0x1e: {  	v0 =	vand.u32 $0xC0000, v0;
	v1 =	vsel vm2, $0xFFFFFF80, v1  }
0x1f: {  	v0 =	vsel vm2, $0xFFFC0000, v0;
	v2 =	vand.u32 $0xFFFFFC00, v1  }
0x20: {  	v1 =	vand.u32 $0x380, v1;
	v0 =	vadd.s32 v0, v2  }
0x21: {  	v0 =	vor.u32 v1, v0  }
0x22: {  	v0 =	vshrl.u32 v0, $0x3;
	_ =	sdelay $0x3  }
0x23: {  	s13 =	simm.s32 $0x2080  }
0x24: {  	[tilespmem:s13], [sflag:$0x1] =	stream.indirect_vreg.gather [hbm:s2], $0x80, v0, vm0, $0x38;
	[tilespmem:$0x4080] =	vst v63  }
0x25: {  	s14 =	simm.s32 $0x2480;
	s31 =	simm.s32 $0x10  }
0x26: {  	[tilespmem:s14], [sflag:$0x1] =	stream.indirect_vreg.gather [hbm:s2], $0x80, v0, vm1, $0x38;
	[tilespmem:$0x4080] =	vst v63  }
0x27: {  	s14 =	simm.s32 $0x80;
	v0 =	vld.msk [tilespmem:s31+$0x40 ss:$0x1], $0xffff  }
.LBB2_5:
0x28: {  	p0 =	sne.s32 s14, $0xC0;
	_ =	sdelay $0x4  }
0x29: {  	v1 =	vshll.u32 v0, $0x5  }
0x2a: {  	vm2 =	veq.s32 v0, $0x80000000;
	v0 =	vshll.u32 v0, $0x12;
	v1 =	vand.u32 $0x3FF80, v1  }
0x2b: {  	v0 =	vand.u32 $0xC0000, v0;
	v1 =	vsel vm2, $0xFFFFFF80, v1  }
0x2c: {  	v0 =	vsel vm2, $0xFFFC0000, v0;
	v2 =	vand.u32 $0xFFFFFC00, v1  }
0x2d: {  	v1 =	vand.u32 $0x380, v1;
	v0 =	vadd.s32 v0, v2  }
0x2e: {  	v0 =	vor.u32 v1, v0  }
0x2f: {  	v0 =	vshrl.u32 v0, $0x3;
	_ =	sdelay $0x3  }
.Ltmp4:
0x30: {  	s13 =	sadd.s32 $0x800, s13;
	(pc) =	sbr.rel @p0 .LBB2_5-.Ltmp4, $4  }
0x31: {  	[tilespmem:s13], [sflag:$0x1] =	stream.indirect_vreg.gather [hbm:s2], $0x80, v0, vm0, $0x38;
	[tilespmem:$0x4080] =	vst v63  }
0x32: {  	s15 =	sshra.s32 s14, $0x2;
	s16 =	sadd.s32 $0x400, s13  }
0x33: {  	[tilespmem:s16], [sflag:$0x1] =	stream.indirect_vreg.gather [hbm:s2], $0x80, v0, vm1, $0x38;
	[tilespmem:$0x4080] =	vst v63  }
0x34: {  	s14 =	sadd.s32 $0x40, s14;
	v0 =	vld.msk [tilespmem:s15+$0x40 ss:$0x1], $0xffff  }
0x35: {  	_ =	sdelay $0x3  }
0x36: {  	v1 =	vshll.u32 v0, $0x5  }
0x37: {  	vm2 =	veq.s32 v0, $0x80000000;
	v63 =	vshll.u32 v0, $0x12;
	v1 =	vand.u32 $0x3FF80, v1  }
0x38: {  	v0 =	vand.u32 $0xC0000, v63;
	v1 =	vsel vm2, $0xFFFFFF80, v1  }
0x39: {  	v0 =	vsel vm2, $0xFFFC0000, v0;
	v2 =	vand.u32 $0xFFFFFC00, v1  }
0x3a: {  	v1 =	vand.u32 $0x380, v1;
	v0 =	vadd.s32 v0, v2  }
0x3b: {  	v0 =	vor.u32 v1, v0  }
0x3c: {  	v0 =	vshrl.u32 v0, $0x3;
	_ =	sdelay $0x3  }
0x3d: {  	s13 =	sadd.s32 $0x800, s13  }
0x3e: {  	[tilespmem:s13], [sflag:$0x1] =	stream.indirect_vreg.gather [hbm:s2], $0x80, v0, vm0, $0x38;
	[tilespmem:$0x4080] =	vst v63  }
0x3f: {  	s13 =	sadd.s32 $0x400, s13  }
0x40: {  	[tilespmem:s13], [sflag:$0x1] =	stream.indirect_vreg.gather [hbm:s2], $0x80, v0, vm1, $0x38;
	[tilespmem:$0x4080] =	vst v63  }
0x41: {  	s12 =	sshll.u32 s12, $0x4;
	s14 =	simm.s32 $0x80;
	_ =	swait.ge [sflag:s4], $0x2000  }
0x42: {  	s15 =	simm.s32 $0x2480;
	s12 =	sadd.s32 s12, s7;
	[sflag:s4] =	ssyncset.done $0x0  }
0x43: {  	s16 =	sadd.s32 $0x0, s12;
	s13 =	simm.s32 $0x2080;
	[sflag:s4] =	ssyncadd.s32 $0xFFFFE000  }
.LBB2_7:
0x44: {  	[hbm:s16] =	stream.linear.scatter [tilespmem:s13], [sflag:$0x3], $0x400, $0x38;
	[tilespmem:$0x4080] =	vst v63  }
0x45: {  	s16 =	smov.u32 s14;
	s13 =	smov.u32 s15;
	p0 =	sne.s32 s14, $0x380  }
.Ltmp5:
0x46: {  	s14 =	sadd.s32 $0x80, s14;
	(pc) =	sbr.rel @p0 .LBB2_7-.Ltmp5, $2  }
0x47: {  	_ =	sdelay $0x2  }
0x48: {  	s15 =	sadd.s32 $0x400, s15;
	s16 =	sadd.s32 s16, s12  }
.Ltmp6:
0x49: {  	(pc) =	sbr.rel .LBB2_9-.Ltmp6, $2  }
0x4a: {  	_ =	sdelay $0x2  }
0x4b: {  	[hbm:s16] =	stream.linear.scatter [tilespmem:s13], [sflag:$0x3], $0x400, $0x38;
	[tilespmem:$0x4080] =	vst v63  }
.LBB2_2:
.Ltmp7:
0x4c: {  	(pc) =	sbr.rel .LBB2_10-.Ltmp7, $4  }
0x4d: {  	_ = 	snop  }
0x4e: {  	s12 =	sshrl.u32 s11, $0x3  }
0x4f: {  	s13 =	sand.u32 $0x7, s11;
	s12 =	sadd.s32 s3, s12  }
0x50: {  	[tilespmem:s9], [sflag:$0x2] =	stream.linear.gather [hbm4b:s12+s13], $0x40, $0x38;
	[tilespmem:$0x4080] =	vst v63  }
.LBB2_11:
0x51: {  	s2 =	simm.s32 $0x3  }
0x52: {  	_ =	swait.ge [sflag:s2], $0x2000  }
0x53: {  	[sflag:s2] =	ssyncset.done $0x0  }
0x54: {  	[sflag:s2] =	ssyncadd.s32 $0xFFFFE000  }
0x55: {  	_ =	sfence.sel $0x180000  }
0x56: {  	s3 =	simm.s32 $0x2;
	[bflag:$0x0] =	sbarrier.arrive $0xFFFF  }
0x57: {  	[sflag:s3] =	ssyncpa.u1 $0x1  }
0x58: {  	s31 =	simm.s32 $0x1;
	[sflag:s2] =	ssyncpa.u1 $0x1  }
0x59: {  	[sflag:s31] =	ssyncpa.u1 $0x1  }
0x5a: {  	p0 =	sne.s32 s1, $0x0;
	_ =	strace $0x90000047  }
0x5b: {  	s0 =	sadd.s32 @!p0 $0x100000, s0;
	[bflag:$0x2] =	sbarrier.arrive $0xFFFF  }
0x5c: {  	[sflag:s0] =	ssyncadd.tile.s32 @!p0 $0x1;
	_ =	shalt  }
.Lfunc_end2:
_tile_overlayer_lowered:
.L_overlay_start_2:
0x5d: {  	(tag) =	ssettag $0x2  }
0x5e: {  	s0 =	rddreg [dreg:$0x0];
	s2 =	stileid.u32  }
0x5f: {  	s1 =	rddreg [dreg:$0x1];
	p0 =	sne.s32 s2, $0x0  }
0x60: {  	s3 =	rddreg [dreg:$0x2];
	[bflag:$0x3] =	sbarrier.arrive $0xFFFF;
	s2 =	simm.s32 @!p0 $0x1C01  }
0x61: {  	[timem:s3], [sflag:s2] =	dma.local @!p0 [hbm:s0], s1  }
0x62: {  	s0 =	simm.s32 @!p0 $0x1  }
0x63: {  	_ =	swait.ge @!p0 [sflag:s0], s1  }
0x64: {  	s1 =	ssub.s32 @!p0 $0x0, s1;
	[sflag:s0] =	ssyncset.done @!p0 $0x0  }
0x65: {  	[sflag:s0] =	ssyncadd.s32 @!p0 s1  }
0x66: {  	[bflag:$0x3] =	sbarrier.arrive $0xFFFF  }
0x67: {  	_ =	shalt  }

// kernel: sparse-core-data-format-call.cloned.1.call-start
scs
called_computation_lowered:
.L_overlay_start_0:
0x0: {  	s1 =	sld [smem:$0x3FD9]  }
0x1: {  	s2 =	sld [smem:$0x3FFE];
	_ =	sdelay $0x1  }
0x2: {  	s3 =	srdreg.scid  }
0x3: {  	s0 =	sand.u32 $0x1, s3  }
0x4: {  	s17 =	sshll.u32 s0, $0xA;
	s1 =	sadd.s32 s2, s1  }
0x5: {  	s1 =	sadd.s32 s1, s17  }
0x6: {  	[smem:$0x3F69] =	sst s1  }
0x7: {  	_ = 	snop  }
0x8: {  	(tm) =	ssettm $0x1  }
0x9: {  	s18 =	sld [smem:$0x3FFB];
	_ =	sdelay $0x3  }
0xa: {  	_ =	strace s18  }
0xb: {  	s1 =	sld [smem:$0x3FFC];
	_ =	sdelay $0x3  }
0xc: {  	_ =	strace s1  }
0xd: {  	s1 =	sld [smem:$0x3FFD];
	_ =	sdelay $0x3  }
0xe: {  	_ =	strace s1  }
0xf: {  	_ =	strace $0x8FFFFFFF  }
0x10: {  	s19 =	sld [smem:$0x3FDB];
	_ =	sdelay $0x1  }
0x11: {  	s20 =	simm.s32 $_scs_section_size  }
0x12: {  	s4 =	simm.s32 $_size__tile_overlayer_lowered;
	s5 =	simm.s32 $_tile_overlayer_lowered  }
0x13: {  	s23 =	simm.s32 $0x1BFF;
	s22 =	sshll.u32 s5, $0x1;
	s1 =	sadd.s32 s20, s19  }
0x14: {  	s6 =	simm.s32 $0x0;
	s21 =	sshll.u32 s4, $0x1;
	s4 =	sadd.s32 s22, s1  }
0x15: {  	[timem:s6], [sflag:s23] =	dma.local [hbm:s4], s21  }
0x16: {  	_ =	swait.ge [sflag:s23], s21  }
0x17: {  	s2 =	ssub.s32 $0x0, s21;
	[sflag:s23] =	ssyncset.done $0x0  }
0x18: {  	[sflag:s23] =	ssyncadd.s32 s2;
	_ =	sdelay $0x1  }
0x19: {  	s24 =	simm.s32 $0x1B8B  }
0x1a: {  	_ =	swait.ge [sflag:s24], $0x1  }
0x1b: {  	[sflag:s24] =	ssyncset.done $0x0  }
0x1c: {  	s26 =	simm.s32 $0x1B8E;
	s25 =	sld [smem:$0x3FFE];
	[sflag:s24] =	ssyncadd.s32 $0xFFFFFFFF  }
0x1d: {  	s27 =	simm.s32 $execute0_lowered;
	[smem:$0x3FD2] =	sst s26  }
0x1e: {  	s4 =	sshll.u32 s27, $0x1;
	_ =	strace $0x80000049;
	[dreg:$0x1] =	wrdreg $0xFFFFFFFF  }
0x1f: {  	s28 =	simm.s32 $_size_execute0_lowered;
	s1 =	sadd.s32 s1, s4;
	[dreg:$0x0] =	wrdreg $0x0  }
0x20: {  	s4 =	sshll.u32 s28, $0x1;
	[dreg:$0x2] =	wrdreg s1  }
0x21: {  	[dreg:$0x3] =	wrdreg s4  }
0x22: {  	[dreg:$0x4] =	wrdreg $0xC0  }
0x23: {  	_ =	task [dreg:s6], $0x5FFFF  }
0x24: {  	[dreg:$0x1] =	wrdreg $0xFFFFFFFF  }
0x25: {  	[dreg:$0x0] =	wrdreg $0x60  }
0x26: {  	[dreg:$0x2] =	wrdreg s25  }
0x27: {  	[dreg:$0x3] =	wrdreg $0x9  }
0x28: {  	_ =	task.clear_ibuf [dreg:s6], $0x4FFFF;
	_ =	strace $0x90000049  }
0x29: {  	s29 =	simm.s32 $0x9;
	_ =	strace $0x8000004B  }
0x2a: {  	_ =	swait.ge [sflag:s29], $0x1  }
0x2b: {  	[sflag:s29] =	ssyncadd.s32 $0xFFFFFFFF  }
0x2c: {  	_ =	strace $0x9000004B  }
0x2d: {  	_ =	sfence  }
0x2e: {  	s30 =	sld [smem:$0x0];
	_ =	sdelay $0x2  }
0x2f: {  	s31 =	sshll.u32 s3, $0xD;
	s3 =	sshrl.u32 s3, $0x2  }
0x30: {  	s2 =	sand.u32 $0x4000, s31;
	s1 =	sadd.s32 s3, s30  }
0x31: {  	s0 =	sor.u32 s2, s0;
	s1 =	sshll.u32 s1, $0x11  }
0x32: {  	s0 =	sor.u32 s1, s0  }
0x33: {  	s0 =	sadd.s32 $0x8F2B, s0  }
0x34: {  	[sflag:s0] =	ssyncadd.remote.s32 $0x1  }
0x35: {  	_ =	sfence.sel $0xFFFF  }
0x36: {  	[dreg:$0x0] =	wrdreg $0xFFFFFFFF;
	(pc) =	sbr.abs _section_cstart, $3  }
0x37: {  	[dreg:$0x1] =	wrdreg $0xFFFFFFFF  }
0x38: {  	_ =	task.clear_ibuf [dreg:s6], $0x2FFFF;
	_ =	strace $0x9FFFFFFF  }
0x39: {  	(tm) =	ssettm $0x7FFFFFFF  }
tec
execute0_lowered:
.L_overlay_start_1:
0x0: {  	(tag) =	ssettag $0x1  }
0x1: {  	s1 =	rddreg [dreg:$0x0]  }
0x2: {  	s0 =	rddreg [dreg:$0x1];
	_ =	strace $0x8000004A;
	s4 =	srdreg.scid  }
0x3: {  	s7 =	simm.s32 $0x2;
	s17 =	simm.s32 $0x0;
	p0 =	por $0x0, $0x0  }
0x4: {  	s16 =	simm.s32 $0x0;
	s18 =	simm.s32 $0x0;
	s19 =	simm.s32 $0x0  }
0x5: {  	s8 =	simm.s32 $0x0;
	s10 =	simm.s32 $0x0;
	s11 =	simm.s32 $0x0  }
0x6: {  	s12 =	simm.s32 $0x0;
	s13 =	simm.s32 $0x0;
	s2 =	sadd.s32 $0x174200, s1  }
.Ltmp0:
0x7: {  	s3 =	sadd.s32 $0x2F4200, s1;
	s4 =	sshll.u32 s4, $0x4;
	(pc) =	sbr.rel .LBB1_1-.Ltmp0, $4  }
0x8: {  	s1 =	stileid.u32;
	s5 =	sand.u32 $0x10, s4;
	s4 =	simm.s32 $0x1  }
0x9: {  	s9 =	simm.s32 $0x0;
	s6 =	sor.u32 s1, s5;
	[sflag:s4] =	ssyncpa.u1 $0x0  }
0xa: {  	s5 =	sand.u32 $0x3, s1;
	s6 =	sshrl.u32 s6, $0x2;
	[sflag:s7] =	ssyncpa.u1 $0x0  }
0xb: {  	s7 =	simm.s32 $0x0;
	s15 =	smov.u32 s5;
	s14 =	smov.u32 s6  }
.LBB1_5:
0xc: {  	p1 =	slt.u32 s9, $0x2;
	s20 =	smov.u32 s19;
	s22 =	smov.u32 s14  }
0xd: {  	s23 =	smov.u32 s15;
	p2 =	sgt.s32 @!p1 s19, $0x3;
	s21 =	sshra.s32 @!p1 s19, $0x1F  }
0xe: {  	p3 =	sgt.s32 @!p1 s17, $0xC0;
	p2 =	por !p2, p1;
	s19 =	sand.u32 @!p1 s21, s19  }
0xf: {  	s21 =	sshra.s32 @!p1 s18, $0x1F;
	s20 =	simm.s32 @p2 $0x3;
	p2 =	sgt.s32 @!p1 s18, $0x7F  }
0x10: {  	p3 =	por !p3, p1;
	s19 =	ssub.s32 @!p1 s20, s19;
	p2 =	por !p2, p1  }
0x11: {  	s20 =	smov.u32 s18;
	s18 =	sand.u32 @!p1 s21, s18;
	s21 =	sadd.s32 @!p1 $0xFFFFFFFD, s19  }
0x12: {  	s20 =	simm.s32 @p2 $0x7F;
	s19 =	ssub.s32 @!p1 $0x4, s19;
	p2 =	sgt.s32 @!p1 s21, $0x0  }
0x13: {  	s18 =	ssub.s32 @!p1 s20, s18;
	s21 =	smov.u32 s17;
	p2 =	por !p2, p1  }
0x14: {  	s20 =	sadd.s32 @!p1 $0xFFFFFF81, s18;
	s18 =	ssub.s32 @!p1 $0x80, s18;
	s21 =	simm.s32 @p3 $0xC0  }
0x15: {  	s19 =	simm.s32 @!p2 $0x0;
	p2 =	sgt.s32 @!p1 s20, $0x0;
	s20 =	sshra.s32 @!p1 s17, $0x1F  }
0x16: {  	p2 =	por !p2, p1;
	s17 =	sand.u32 @!p1 s20, s17;
	s20 =	ssub.s32 @!p1 $0x0, s16  }
0x17: {  	s18 =	simm.s32 @!p2 $0x0;
	s16 =	smin.u32 @!p1 s16, s20;
	s17 =	ssub.s32 @!p1 s21, s17  }
0x18: {  	s20 =	sadd.s32 $0x80, s12;
	s18 =	smul.u32 @!p1 s19, s18;
	p2 =	sgt.s32 @!p1 s16, $0x7F  }
0x19: {  	s19 =	sadd.s32 @!p1 $0xFFFFFF40, s17;
	s16 =	ssub.s32 @!p1 $0x80, s16;
	p2 =	por !p2, p1  }
0x1a: {  	s21 =	smov.u32 s13;
	p3 =	sgt.s32 @!p1 s19, $0x7F;
	s16 =	simm.s32 @!p2 $0x0  }
0x1b: {  	s17 =	ssub.s32 @!p1 $0x140, s17;
	p2 =	por !p3, p1;
	s16 =	smul.u32 @!p1 s16, s18  }
0x1c: {  	s17 =	simm.s32 @!p2 $0x0;
	p2 =	sgt.s32 s20, $0x13F;
	s18 =	sadd.s32 $0x80, s13  }
0x1d: {  	s9 =	sadd.s32 $0x1, s9;
	p0 =	por !p0, !p0;
	s21 =	smov.u32 @p2 s18  }
0x1e: {  	s16 =	smul.u32 @!p1 s17, s16;
	p3 =	sgt.s32 s21, $0x7F;
	s17 =	sadd.s32 $0x8, s14  }
0x1f: {  	s24 =	simm.s32 @!p1 $0x2;
	s19 =	smov.u32 s11;
	s22 =	smov.u32 @p3 s17  }
0x20: {  	s20 =	simm.s32 @p2 $0x0;
	s17 =	sadd.s32 $0x4, s15;
	p2 =	sgt.s32 s22, $0x7F  }
0x21: {  	s11 =	smov.u32 s15;
	s18 =	smov.u32 s10;
	s23 =	smov.u32 @p2 s17  }
0x22: {  	s10 =	smov.u32 s14;
	s22 =	smov.u32 @p2 s6;
	p2 =	sgt.s32 s23, $0x3  }
0x23: {  	s16 =	sshrl.u32 @!p1 s16, $0x1;
	s23 =	smov.u32 @p2 s5;
	p2 =	sne.s32 s9, $0x32  }
.Ltmp1:
0x24: {  	s21 =	simm.s32 @p3 $0x0;
	s16 =	sand.u32 @!p1 $0x3FFFFFFF, s16;
	(pc) =	sbr.rel @!p2 .LBB1_6-.Ltmp1, $4  }
0x25: {  	s17 =	smov.u32 s7;
	s7 =	smov.u32 s12;
	s12 =	smov.u32 s20  }
0x26: {  	_ =	swait.ge @!p1 [sflag:s24], s16;
	s25 =	ssub.s32 @!p1 $0x0, s16;
	s16 =	smov.u32 s8  }
0x27: {  	s8 =	smov.u32 s13;
	s13 =	smov.u32 s21;
	[sflag:s24] =	ssyncset.done @!p1 $0x0  }
0x28: {  	s14 =	smov.u32 s22;
	[sflag:s24] =	ssyncadd.s32 @!p1 s25;
	s15 =	smov.u32 s23  }
.LBB1_1:
0x29: {  	p1 =	sgt.u32 s9, $0x2F  }
0x2a: {  	s20 =	sshrl.u32 @!p1 s13, $0x3  }
0x2b: {  	s21 =	sshll.u32 @!p1 s12, $0x3;
	s20 =	smul.u32 @!p1 $0xC00, s20  }
0x2c: {  	s22 =	sshll.u32 @!p1 s13, $0x7;
	s21 =	sand.u32 @!p1 $0xFFFFFC00, s21  }
0x2d: {  	s20 =	sadd.s32 @!p1 s20, s21;
	s21 =	sand.u32 @!p1 $0x300, s22;
	s22 =	sshll.u32 @!p1 s12, $0x1  }
0x2e: {  	s20 =	sor.u32 @!p1 s21, s20;
	s21 =	sand.u32 @!p1 $0xFE, s22  }
0x2f: {  	s22 =	sand.u32 @!p1 $0x1, s13;
	s20 =	sor.u32 @!p1 s21, s20  }
0x30: {  	s21 =	sor.u32 @!p1 s22, s20;
	s20 =	smulhi.u32 @!p1 $0xAAAAAAAB, s20  }
0x31: {  	s22 =	smulhi.u32 @!p1 $0xAAAAAAAB, s21  }
0x32: {  	s23 =	smul.u32 @!p1 $0x60000, s15  }
0x33: {  	s24 =	smul.u32 @!p1 $0xC00, s14;
	s20 =	sshrl.u32 @!p1 s20, $0x8;
	s22 =	sshrl.u32 @!p1 s22, $0x8  }
0x34: {  	s20 =	sand.u32 @!p1 $0x7F, s20;
	s22 =	smul.u32 @!p1 $0x180, s22  }
0x35: {  	s23 =	sadd.s32 @!p1 s2, s23;
	s20 =	smul.u32 @!p1 $0x18, s20  }
0x36: {  	s25 =	sxor.u32 @!p1 $0xFFFFFFFF, s9;
	s21 =	ssub.s32 @!p1 s21, s22;
	s22 =	sadd.s32 @!p1 s24, s23  }
0x37: {  	s23 =	sshrl.u32 @!p1 s21, $0x4;
	s20 =	sadd.s32 @!p1 s20, s22;
	s21 =	sshll.u32 @!p1 s21, $0x11  }
0x38: {  	s22 =	sshll.u32 @!p1 s25, $0xD;
	s20 =	sadd.s32 @!p1 s23, s20;
	s21 =	sand.u32 @!p1 $0x1C0000, s21  }
0x39: {  	s22 =	sand.u32 @!p1 $0x2000, s22;
	s23 =	simm.s32 @!p1 $0x600;
	s21 =	sor.u32 @!p1 $0x200, s21  }
0x3a: {  	[tilespmem:s22], [sflag:$0x1] =	stream.strided.gather @!p1 [hbm4b:s20+s21], $0x2000, s23, s21, $0x38;
	[tilespmem:$0x8080] =	vst v63  }
0x3b: {  	p1 =	seq.s32 s9, $0x0  }
0x3c: {  	p2 =	seq.s32 @!p1 s9, $0x31  }
0x3d: {  	p1 =	por p1, p2  }
.Ltmp2:
0x3e: {  	_ = 	snop;
	(pc) =	sbr.rel @p1 .LBB1_5-.Ltmp2, $1  }
0x3f: {  	_ =	sdelay $0x3  }
0x40: {  	s20 =	simm.s32 $0x1  }
0x41: {  	_ =	swait.ge [sflag:s4], $0x2000;
	s20 =	simm.s32 @!p0 $0x0  }
0x42: {  	[sflag:s4] =	ssyncset.done $0x0;
	s20 =	sshll.u32 s20, $0xD  }
0x43: {  	[sflag:s4] =	ssyncadd.s32 $0xFFFFE000;
	s20 =	sor.u32 $0x40, s20  }
0x44: {  	v0 =	vld [tilespmem:s20+$0x20]  }
0x45: {  	v1 =	vld [tilespmem:s20+$0x30]  }
0x46: {  	v2 =	vld [tilespmem:s20+$0xFFFFFFD0]  }
0x47: {  	v3 =	vld [tilespmem:s20+$0xFFFFFFE0]  }
0x48: {  	v4 =	vld [tilespmem:s20+$0xFFFFFFF0]  }
0x49: {  	s21 =	sand.u32 $0x1, s9;
	v5 =	vld [tilespmem:s20+$0x0]  }
0x4a: {  	s21 =	smul.u32 $0x8100, s21;
	v6 =	vld [tilespmem:s20+$0x10]  }
0x4b: {  	s22 =	simm.s32 $0x0;
	s24 =	sadd.s32 $0x80, s20;
	v1 =	vperm.xlane.i2c.b16 v1  }
0x4c: {  	s23 =	sand.u32 $0x7C, s22;
	s21 =	sshrl.u32 s21, $0x2;
	v10 =	vld [tilespmem:s24+$0x20];
	v7 =	vperm.xlane.i2c.b16 v0;
	v0 =	vperm.xlane.i2c.b16 v2  }
0x4d: {  	s30 =	sand.u32 $0x80, s22;
	s31 =	sshrl.u32 s23, $0x1;
	v8 =	vld [tilespmem:s20+$0xFFFFFFC0];
	s20 =	sor.u32 $0x4000, s21;
	v3 =	vperm.xlane.i2c.b16 v3;
	v4 =	vperm.xlane.i2c.b16 v4  }
0x4e: {  	s21 =	sshrl.u32 s30, $0x1;
	s22 =	sadd.s32 s31, s20;
	v11 =	vld [tilespmem:s24+$0x30];
	v9 =	vperm.xlane.i2c.b16 v5;
	v2 =	vcombine.low v7, v1  }
0x4f: {  	v12 =	vld [tilespmem:s24+$0xFFFFFFD0];
	s21 =	sadd.s32 s21, s22;
	v14 =	vperm.xlane.i2c.b16 v6;
	v13 =	vcombine.low v3, v4  }
0x50: {  	v1 =	vcombine.high v7, v1;
	v7 =	vld [tilespmem:s24+$0xFFFFFFE0];
	[tilespmem:s21+$0x1830 ss:$0x81] =	vst.msk $0xffff, v2  }
0x51: {  	v6 =	vld [tilespmem:s24+$0xFFFFFFF0];
	v10 =	vperm.xlane.i2c.b16 v10;
	v63 =	vcombine.low v9, v14;
	[tilespmem:s21+$0x810 ss:$0x81] =	vst.msk $0xffff, v13  }
0x52: {  	s22 =	simm.s32 $0x4;
	v5 =	vld [tilespmem:s24+$0x0];
	v2 =	vperm.xlane.i2c.b16 v8;
	[tilespmem:s21+$0x1831 ss:$0x81] =	vst.msk $0xffff, v1;
	v1 =	vcombine.high v3, v4  }
0x53: {  	s23 =	simm.s32 $0x2;
	s26 =	sand.u32 $0x7C, s22;
	v9 =	vcombine.high v9, v14;
	v8 =	vperm.xlane.i2c.b16 v11;
	[tilespmem:s21+$0x1020 ss:$0x81] =	vst.msk $0xffff, v63;
	v4 =	vld [tilespmem:s24+$0x10]  }
0x54: {  	s25 =	sand.u32 $0x80, s22;
	s26 =	sshrl.u32 s26, $0x1;
	v3 =	vld [tilespmem:s24+$0xFFFFFFC0];
	s24 =	sadd.s32 $0x80, s24;
	v11 =	vcombine.low v2, v0;
	[tilespmem:s21+$0x811 ss:$0x81] =	vst.msk $0xffff, v1;
	v1 =	vperm.xlane.i2c.b16 v12  }
.LBB1_3:
0x55: {  	v12 =	vld [tilespmem:s24+$0x20];
	s26 =	sadd.s32 s26, s20;
	s25 =	sshrl.u32 s25, $0x1;
	v13 =	vperm.xlane.i2c.b16 v7;
	v7 =	vcombine.low v10, v8;
	[tilespmem:s21+$0x1021 ss:$0x81] =	vst.msk $0xffff, v9  }
0x56: {  	s23 =	sadd.s32 $0x2, s23;
	v14 =	vld [tilespmem:s24+$0x30];
	s25 =	sadd.s32 s25, s26;
	v9 =	vperm.xlane.i2c.b16 v6;
	v6 =	vcombine.high v10, v8;
	[tilespmem:s21+$0x0 ss:$0x81] =	vst.msk $0xffff, v11  }
0x57: {  	p1 =	slt.u32 s23, $0x7E;
	v11 =	vld [tilespmem:s24+$0xFFFFFFD0];
	v8 =	vperm.xlane.i2c.b16 v5;
	[tilespmem:s25+$0x1830 ss:$0x81] =	vst.msk $0xffff, v7;
	v5 =	vcombine.high v2, v0;
	v0 =	vmov v1  }
.Ltmp3:
0x58: {  	v7 =	vld [tilespmem:s24+$0xFFFFFFE0];
	v1 =	vcombine.low v13, v9;
	v4 =	vperm.xlane.i2c.b16 v4;
	[tilespmem:s25+$0x1831 ss:$0x81] =	vst.msk $0xffff, v6;
	(pc) =	sbr.rel @p1 .LBB1_3-.Ltmp3, $4  }
0x59: {  	v6 =	vld [tilespmem:s24+$0xFFFFFFF0];
	v2 =	vperm.xlane.i2c.b16 v3;
	v3 =	vcombine.high v13, v9;
	[tilespmem:s21+$0x1 ss:$0x81] =	vst.msk $0xffff, v5;
	s21 =	smov.u32 s25  }
0x5a: {  	s22 =	sadd.s32 $0x4, s22;
	v5 =	vld [tilespmem:s24+$0x0];
	[tilespmem:s21+$0x810 ss:$0x81] =	vst.msk $0xffff, v1;
	v13 =	vcombine.low v8, v4;
	v9 =	vcombine.high v8, v4  }
0x5b: {  	s26 =	sand.u32 $0x7C, s22;
	v10 =	vperm.xlane.i2c.b16 v12;
	v4 =	vld [tilespmem:s24+$0x10];
	v8 =	vperm.xlane.i2c.b16 v14;
	[tilespmem:s21+$0x811 ss:$0x81] =	vst.msk $0xffff, v3  }
0x5c: {  	s26 =	sshrl.u32 s26, $0x1;
	s25 =	sand.u32 $0x80, s22;
	v3 =	vld [tilespmem:s24+$0xFFFFFFC0];
	v1 =	vperm.xlane.i2c.b16 v11;
	s24 =	sadd.s32 $0x80, s24;
	v11 =	vcombine.low v2, v0;
	[tilespmem:s21+$0x1020 ss:$0x81] =	vst.msk $0xffff, v13  }
0x5d: {  	s22 =	sadd.s32 s26, s20;
	s23 =	sshll.u32 s7, $0x7  }
0x5e: {  	s24 =	sshll.u32 s8, $0x3;
	s25 =	sshrl.u32 s25, $0x1;
	s27 =	sshll.u32 s8, $0x1  }
0x5f: {  	p1 =	sgt.s32 s11, $0x3;
	s26 =	smov.u32 s11;
	s29 =	sshra.s32 s11, $0x1F  }
0x60: {  	s31 =	sand.u32 $0xFFFFFC00, s23;
	s24 =	sand.u32 $0xFFFFFC00, s24;
	s23 =	sand.u32 $0x300, s23  }
0x61: {  	s28 =	sand.u32 $0x80, s27;
	s26 =	simm.s32 @!p1 $0x3;
	p1 =	sgt.s32 s10, $0x7F  }
0x62: {  	s27 =	smov.u32 s10;
	s22 =	sadd.s32 s25, s22;
	s24 =	sadd.s32 s24, s31  }
0x63: {  	s27 =	simm.s32 @!p1 $0x7F;
	s23 =	sor.u32 s23, s24;
	s24 =	sand.u32 s29, s11  }
0x64: {  	s23 =	sor.u32 s28, s23;
	s28 =	sshra.s32 s10, $0x1F;
	s24 =	ssub.s32 s26, s24  }
0x65: {  	s30 =	sand.u32 s28, s10;
	s23 =	sshrl.u32 s23, $0x7;
	s31 =	sadd.s32 $0xFFFFFFFD, s24  }
0x66: {  	s24 =	ssub.s32 $0x4, s24;
	s26 =	ssub.s32 s27, s30;
	p1 =	sgt.s32 s31, $0x0  }
0x67: {  	s29 =	smulhi.u32 $0xCCCCCD, s23;
	s31 =	sshra.s32 s7, $0x1F;
	s27 =	sadd.s32 $0xFFFFFF81, s26  }
0x68: {  	s24 =	simm.s32 @p1 $0x0;
	s26 =	ssub.s32 $0x80, s26;
	p1 =	sgt.s32 s27, $0x0  }
0x69: {  	s30 =	ssub.s32 $0x0, s8;
	s28 =	sand.u32 s31, s7;
	s26 =	simm.s32 @p1 $0x0  }
0x6a: {  	v7 =	vperm.xlane.i2c.b16 v7;
	v12 =	vcombine.low v10, v8;
	[tilespmem:s21+$0x1021 ss:$0x81] =	vst.msk $0xffff, v9;
	p1 =	sgt.s32 s7, $0xC0;
	s24 =	smul.u32 s24, s26;
	s26 =	smov.u32 s7  }
0x6b: {  	v0 =	vcombine.high v2, v0;
	v6 =	vperm.xlane.i2c.b16 v6;
	[tilespmem:s21+$0x0 ss:$0x81] =	vst.msk $0xffff, v11;
	s31 =	smul.u32 $0xA00, s10;
	s27 =	smin.u32 s8, s30;
	s26 =	simm.s32 @!p1 $0xC0  }
0x6c: {  	v58 =	vcombine.high v10, v8;
	v5 =	vperm.xlane.i2c.b16 v5;
	[tilespmem:s22+$0x1830 ss:$0x81] =	vst.msk $0xffff, v12;
	p1 =	sgt.s32 s27, $0x7F;
	s27 =	ssub.s32 $0x80, s27;
	s26 =	ssub.s32 s26, s28  }
0x6d: {  	[tilespmem:s21+$0x1 ss:$0x81] =	vst.msk $0xffff, v0;
	v59 =	vcombine.low v7, v6;
	v4 =	vperm.xlane.i2c.b16 v4;
	s25 =	smul.u32 $0x140, s29;
	s27 =	simm.s32 @p1 $0x0;
	s29 =	sadd.s32 $0xFFFFFF40, s26  }
0x6e: {  	[tilespmem:s22+$0x1831 ss:$0x81] =	vst.msk $0xffff, v58;
	v6 =	vcombine.high v7, v6;
	s24 =	smul.u32 s27, s24;
	s21 =	ssub.s32 $0x140, s26;
	p1 =	sgt.s32 s29, $0x7F  }
0x6f: {  	v60 =	vperm.xlane.i2c.b16 v3;
	[tilespmem:s22+$0x810 ss:$0x81] =	vst.msk $0xffff, v59;
	v61 =	vcombine.low v5, v4;
	s30 =	smul.u32 $0x50000, s11;
	s21 =	simm.s32 @p1 $0x0  }
0x70: {  	v62 =	vcombine.high v5, v4;
	[tilespmem:s22+$0x811 ss:$0x81] =	vst.msk $0xffff, v6;
	s21 =	smul.u32 s21, s24  }
.Ltmp4:
0x71: {  	v63 =	vcombine.low v60, v1;
	[tilespmem:s22+$0x1020 ss:$0x81] =	vst.msk $0xffff, v61;
	s28 =	sshrl.u32 s8, $0x3;
	s26 =	sadd.s32 s3, s30;
	(pc) =	sbr.rel .LBB1_5-.Ltmp4, $4  }
0x72: {  	v0 =	vcombine.high v60, v1;
	[tilespmem:s22+$0x1021 ss:$0x81] =	vst.msk $0xffff, v62;
	s23 =	ssub.s32 s23, s25;
	s29 =	sadd.s32 s31, s26;
	s24 =	sand.u32 $0x7, s28  }
0x73: {  	[tilespmem:s22+$0x0 ss:$0x81] =	vst.msk $0xffff, v63;
	s23 =	sshll.u32 s23, $0x3;
	s24 =	sadd.s32 s24, s29;
	s21 =	sshrl.u32 s21, $0x1  }
0x74: {  	[tilespmem:s22+$0x1 ss:$0x81] =	vst.msk $0xffff, v0;
	s31 =	sand.u32 $0x7, s8;
	s30 =	sadd.s32 s23, s24;
	s21 =	sand.u32 $0x3FFFFFFF, s21  }
0x75: {  	[hbm4b:s30+s31] =	stream.linear.scatter [tilespmem:s20], [sflag:$0x2], s21, $0x20;
	[tilespmem:$0x8080] =	vst v63  }
.LBB1_6:
0x76: {  	_ =	sfence.sel $0x180000  }
0x77: {  	s2 =	simm.s32 $0x1;
	[bflag:$0x0] =	sbarrier.arrive $0xFFFF  }
0x78: {  	s31 =	simm.s32 $0x2;
	[sflag:s2] =	ssyncpa.u1 $0x1  }
0x79: {  	[sflag:s31] =	ssyncpa.u1 $0x1  }
0x7a: {  	p0 =	sne.s32 s1, $0x0;
	_ =	strace $0x9000004A  }
0x7b: {  	s0 =	sadd.s32 @!p0 $0x100000, s0;
	[bflag:$0x2] =	sbarrier.arrive $0xFFFF  }
0x7c: {  	[sflag:s0] =	ssyncadd.tile.s32 @!p0 $0x1;
	_ =	shalt  }
.Lfunc_end1:
_tile_overlayer_lowered:
.L_overlay_start_2:
0x7d: {  	(tag) =	ssettag $0x2  }
0x7e: {  	s0 =	rddreg [dreg:$0x0];
	s2 =	stileid.u32  }
0x7f: {  	s1 =	rddreg [dreg:$0x1];
	p0 =	sne.s32 s2, $0x0  }
0x80: {  	s3 =	rddreg [dreg:$0x2];
	[bflag:$0x3] =	sbarrier.arrive $0xFFFF;
	s2 =	simm.s32 @!p0 $0x1C01  }
0x81: {  	[timem:s3], [sflag:s2] =	dma.local @!p0 [hbm:s0], s1  }
0x82: {  	s0 =	simm.s32 @!p0 $0x1  }
0x83: {  	_ =	swait.ge @!p0 [sflag:s0], s1  }
0x84: {  	s1 =	ssub.s32 @!p0 $0x0, s1;
	[sflag:s0] =	ssyncset.done @!p0 $0x0  }
0x85: {  	[sflag:s0] =	ssyncadd.s32 @!p0 s1  }
0x86: {  	[bflag:$0x3] =	sbarrier.arrive $0xFFFF  }
0x87: {  	_ =	shalt  }

</sc_bundles>
